<compile_context>
chip_gen: v7x
topology: tpu7x:2x2x1
jax: 0.10.2.dev20260603
libtpu: 0.0.44.dev20260713+nightly
codegen_flags: <defaults>
</compile_context>

<pallas_src>
import functools

import jax
import jax.numpy as jnp
from jax import lax
from jax.experimental import pallas as pl
from jax.experimental.pallas import tpu as pltpu
from jax.experimental.pallas import tpu_sc as plsc

N = 10000
C = 128
NPAD = 10240
E = 320000

NCORES = 2
NSUB = 16
NTILES = NCORES * NSUB
CHUNK = 128
CHUNKS_PER_TILE = 80
ROWS_PER_TILE = NPAD // NSUB

RB = 512
GRID = NPAD // RB

NBUF = 2
K_CORE0 = 140
K_CORE1 = 22
NCHUNK = NSUB * (K_CORE0 + K_CORE1)
E_PAD = NCHUNK * CHUNK

ACC_ROWS = NPAD
ACC_PER_TILE = ACC_ROWS // NSUB

@functools.cache
def _mesh():
    return plsc.VectorSubcoreMesh(core_axis_name="c", subcore_axis_name="s")



def _sc_degree_body(dst_hbm, zeros_hbm, ones_hbm, out_hbm, dst_v0, dst_v1,
                    ones_v, acc_sh, dsem0, dsem1):
    c = lax.axis_index("c")
    s = lax.axis_index("s")
    base = (c * NSUB + s) * CHUNKS_PER_TILE
    dst0, dst1 = dst_v0, dst_v1
    sem0, sem1 = dsem0, dsem1
    pltpu.sync_copy(zeros_hbm, acc_sh.at[pl.ds(s * ROWS_PER_TILE, ROWS_PER_TILE)])
    pltpu.sync_copy(ones_hbm, ones_v)
    plsc.subcore_barrier()

    def start(j, dstb, semb):
        pltpu.async_copy(dst_hbm.at[base + j], dstb, semb)

    def finish(j, dstb, semb):
        pltpu.make_async_copy(dst_hbm.at[base + j], dstb, semb).wait()
        pltpu.sync_copy(ones_v, acc_sh.at[dstb], add=True)

    start(0, dst0, sem0)
    start(1, dst1, sem1)

    @pl.loop(0, CHUNKS_PER_TILE // 2 - 1)
    def _(t):
        j = 2 * t
        finish(j, dst0, sem0)
        start(j + 2, dst0, sem0)
        finish(j + 1, dst1, sem1)
        start(j + 3, dst1, sem1)

    finish(CHUNKS_PER_TILE - 2, dst0, sem0)
    finish(CHUNKS_PER_TILE - 1, dst1, sem1)

    plsc.subcore_barrier()
    pltpu.sync_copy(acc_sh.at[pl.ds(s * ROWS_PER_TILE, ROWS_PER_TILE)],
                    out_hbm.at[pl.ds(c * NPAD + s * ROWS_PER_TILE,
                                     ROWS_PER_TILE)])


@jax.jit
def _sc_degree(dstp, zeros128, ones128):
    f = pl.kernel(
        _sc_degree_body,
        out_type=jax.ShapeDtypeStruct((NCORES * NPAD, C), jnp.float32),
        mesh=_mesh(),
        scratch_types=[
            pltpu.VMEM((CHUNK,), jnp.int32),
            pltpu.VMEM((CHUNK,), jnp.int32),
            pltpu.VMEM((CHUNK, C), jnp.float32),
            pltpu.VMEM_SHARED((NPAD, C), jnp.float32),
            pltpu.SemaphoreType.DMA,
            pltpu.SemaphoreType.DMA,
        ],
    )
    return f(dstp, zeros128, ones128)


def _sc_prop_body(z_hbm, src_hbm, dst_hbm, zeros_hbm, out_hbm, *scratch):
    bufs = [tuple(scratch[3 * b:3 * b + 3]) + (scratch[3 * NBUF + 1 + b],)
            for b in range(NBUF)]
    acc_sh = scratch[3 * NBUF]
    c = lax.axis_index("c")
    s = lax.axis_index("s")
    k = jnp.where(c == 0, K_CORE0, K_CORE1)
    base = jnp.where(c == 0, s * K_CORE0, NSUB * K_CORE0 + s * K_CORE1)

    def start(j, buf):
        srcb, dstb, rowsb, sem = buf
        pltpu.sync_copy(src_hbm.at[base + j], srcb)
        pltpu.sync_copy(dst_hbm.at[base + j], dstb)
        pltpu.async_copy(z_hbm.at[srcb], rowsb, sem)

    def finish(buf):
        srcb, dstb, rowsb, sem = buf
        pltpu.make_async_copy(z_hbm.at[srcb], rowsb, sem).wait()
        pltpu.sync_copy(rowsb, acc_sh.at[dstb], add=True)

    pltpu.sync_copy(zeros_hbm.at[pl.ds(0, ACC_PER_TILE)],
                    acc_sh.at[pl.ds(s * ACC_PER_TILE, ACC_PER_TILE)])
    plsc.subcore_barrier()

    for b in range(NBUF):
        start(b, bufs[b])

    @pl.loop(0, k // NBUF - 1)
    def _(t):
        j = NBUF * t
        for b in range(NBUF):
            finish(bufs[b])
            start(j + NBUF + b, bufs[b])

    for b in range(NBUF):
        finish(bufs[b])

    plsc.subcore_barrier()
    pltpu.sync_copy(acc_sh.at[pl.ds(s * ACC_PER_TILE, ACC_PER_TILE)],
                    out_hbm.at[pl.ds(c * NPAD + s * ACC_PER_TILE,
                                     ACC_PER_TILE)])


@jax.jit
def _sc_prop(z, srcp, dstp, zrows):
    f = pl.kernel(
        _sc_prop_body,
        out_type=jax.ShapeDtypeStruct((NCORES * NPAD, C), jnp.float32),
        mesh=_mesh(),
        scratch_types=(
            [pltpu.VMEM((CHUNK,), jnp.int32),
             pltpu.VMEM((CHUNK,), jnp.int32),
             pltpu.VMEM((CHUNK, C), jnp.float32)] * NBUF
            + [pltpu.VMEM_SHARED((ACC_ROWS, C), jnp.float32)]
            + [pltpu.SemaphoreType.DMA] * NBUF
        ),
    )
    return f(z, srcp, dstp, zrows)



def _eid_body(emb_ref, w_ref, b_ref, out_ref):
    out_ref[...] = (
        jnp.dot(emb_ref[...], w_ref[...], preferred_element_type=jnp.float32)
        + b_ref[...]
    )


@jax.jit
def _tc_eid(emb_p, w_p, b):
    return pl.pallas_call(
        _eid_body,
        out_shape=jax.ShapeDtypeStruct((16, C), jnp.float32),
    )(emb_p, w_p, b)


def _tc1_body(deg_ref, x_ref, w_ref, z_ref, dinv_ref):
    deg = (jnp.sum(deg_ref[0], axis=1) + jnp.sum(deg_ref[1], axis=1)) * (1.0 / C) + 1.0
    dinv = lax.rsqrt(deg)[:, None]
    y = jnp.dot(x_ref[...], w_ref[...], preferred_element_type=jnp.float32)
    z_ref[...] = y * dinv
    dinv_ref[...] = jnp.broadcast_to(dinv, (RB, C))


@jax.jit
def _tc1(degp, x, w1):
    return pl.pallas_call(
        _tc1_body,
        grid=(GRID,),
        in_specs=[
            pl.BlockSpec((NCORES, RB, C), lambda i: (0, i, 0)),
            pl.BlockSpec((RB, C), lambda i: (i, 0)),
            pl.BlockSpec((C, C), lambda i: (0, 0)),
        ],
        out_specs=[
            pl.BlockSpec((RB, C), lambda i: (i, 0)),
            pl.BlockSpec((RB, C), lambda i: (i, 0)),
        ],
        out_shape=[
            jax.ShapeDtypeStruct((NPAD, C), jnp.float32),
            jax.ShapeDtypeStruct((NPAD, C), jnp.float32),
        ],
    )(degp, x, w1)


def _tc2_body(pa_ref, pb_ref, z1_ref, dinv_ref, b1_ref, w2_ref, z2_ref):
    dinv = dinv_ref[...]
    h = dinv * (pa_ref[...] + pb_ref[...] + z1_ref[...]) + b1_ref[...]
    h = jnp.maximum(h, 0.0)
    z2_ref[...] = (
        jnp.dot(h, w2_ref[...], preferred_element_type=jnp.float32) * dinv
    )


@jax.jit
def _tc2(pa, pb, z1, dinv, b1, w2):
    blk = pl.BlockSpec((RB, C), lambda i: (i, 0))
    return pl.pallas_call(
        _tc2_body,
        grid=(GRID,),
        in_specs=[blk, blk, blk, blk,
                  pl.BlockSpec((1, C), lambda i: (0, 0)),
                  pl.BlockSpec((C, C), lambda i: (0, 0))],
        out_specs=blk,
        out_shape=jax.ShapeDtypeStruct((NPAD, C), jnp.float32),
    )(pa, pb, z1, dinv, b1, w2)


def _tc3_body(pa_ref, pb_ref, z2_ref, dinv_ref, b2_ref, out_ref):
    out_ref[...] = (
        dinv_ref[...] * (pa_ref[...] + pb_ref[...] + z2_ref[...]) + b2_ref[...]
    )


@jax.jit
def _tc3(pa, pb, z2, dinv, b2):
    blk = pl.BlockSpec((RB, C), lambda i: (i, 0))
    return pl.pallas_call(
        _tc3_body,
        grid=(GRID,),
        in_specs=[blk, blk, blk, blk, pl.BlockSpec((1, C), lambda i: (0, 0))],
        out_specs=blk,
        out_shape=jax.ShapeDtypeStruct((NPAD, C), jnp.float32),
    )(pa, pb, z2, dinv, b2)



def kernel(edge_index, init_emb, W_map, b_map, s_emb, W1, b1, W2, b2):
    src = edge_index[0].astype(jnp.int32)
    dst = edge_index[1].astype(jnp.int32)
    pad = jnp.full((E_PAD - E,), N, jnp.int32)
    srcp = jnp.concatenate([src, pad]).reshape(NCHUNK, CHUNK)
    dstp = jnp.concatenate([dst, pad]).reshape(NCHUNK, CHUNK)

    ones128 = jnp.ones((CHUNK, C), jnp.float32)
    zrows = jnp.zeros((ROWS_PER_TILE, C), jnp.float32)

    degp = _sc_degree(dstp, zrows, ones128).reshape(NCORES, NPAD, C)

    emb_p = jnp.zeros((16, C), jnp.float32).at[:, : W_map.shape[0]].set(init_emb)
    wmap_p = jnp.zeros((C, C), jnp.float32).at[: W_map.shape[0]].set(W_map)
    eid_x = _tc_eid(emb_p, wmap_p, b_map.reshape(1, C))
    x = jnp.concatenate(
        [eid_x, s_emb, jnp.zeros((NPAD - N, C), jnp.float32)], axis=0
    )

    z1, dinv = _tc1(degp, x, W1)
    p1 = _sc_prop(z1, srcp, dstp, zrows).reshape(NCORES, NPAD, C)
    z2 = _tc2(p1[0], p1[1], z1, dinv, b1.reshape(1, C), W2)
    p2 = _sc_prop(z2, srcp, dstp, zrows).reshape(NCORES, NPAD, C)
    out = _tc3(p2[0], p2[1], z2, dinv, b2.reshape(1, C))
    return out[:N]

# --- scband reference (transcript-rebuilt; emitter-appended) ---
"""Pipeline reference for scband-ehrgnn-motor-20667382628838 (READ-ONLY COPY).

The authoritative reference and input builder live on the scoring server;
editing this copy changes nothing except your own understanding.
"""

import jax, jax.numpy as jnp
import numpy as np

NUM_NODES = 10000
EID_NUM = 16
EID_DIM = 8
IN_C = 128
HID = 128
OUT_C = 128
E = 320000
SNP_NUM = NUM_NODES - EID_NUM


def setup_inputs(seed: int = 0) -> dict:
    key = jax.random.key(seed)
    ks = jax.random.split(key, 10)
    edge_index = jax.random.randint(ks[0], (2, E), 0, NUM_NODES)
    init_emb = jax.random.normal(ks[1], (EID_NUM, EID_DIM), dtype=jnp.float32)
    W_map = jax.random.normal(ks[2], (EID_DIM, IN_C), dtype=jnp.float32) * (1.0 / np.sqrt(EID_DIM))
    b_map = jnp.zeros((IN_C,), dtype=jnp.float32)
    s_emb = jax.random.normal(ks[3], (SNP_NUM, IN_C), dtype=jnp.float32)
    W1 = jax.random.normal(ks[4], (IN_C, HID), dtype=jnp.float32) * (1.0 / np.sqrt(IN_C))
    b1 = jnp.zeros((HID,), dtype=jnp.float32)
    W2 = jax.random.normal(ks[5], (HID, OUT_C), dtype=jnp.float32) * (1.0 / np.sqrt(HID))
    b2 = jnp.zeros((OUT_C,), dtype=jnp.float32)
    return {"edge_index": edge_index, "init_emb": init_emb, "W_map": W_map, "b_map": b_map,
            "s_emb": s_emb, "W1": W1, "b1": b1, "W2": W2, "b2": b2}


def _gcn_conv(x, edge_index, W, b):
    # GCNConv: x' = D^{-1/2} (A + I) D^{-1/2} X W + b
    x = x @ W
    src = edge_index[0]
    dst = edge_index[1]
    loop = jnp.arange(NUM_NODES, dtype=src.dtype)
    src = jnp.concatenate([src, loop])
    dst = jnp.concatenate([dst, loop])
    deg = jnp.zeros((NUM_NODES,), dtype=x.dtype).at[dst].add(1.0)
    dinv = jnp.where(deg > 0, 1.0 / jnp.sqrt(deg), 0.0)
    norm = dinv[src] * dinv[dst]
    msgs = x[src] * norm[:, None]
    out = jax.ops.segment_sum(msgs, dst, num_segments=NUM_NODES)
    return out + b


def reference(edge_index, init_emb, W_map, b_map, s_emb, W1, b1, W2, b2):
    eid_x = init_emb @ W_map + b_map
    snp_x = s_emb  # embedding of arange(SNP_NUM) == full table
    x = jnp.concatenate([eid_x, snp_x], axis=0)
    x = _gcn_conv(x, edge_index, W1, b1)
    x = jax.nn.relu(x)
    # dropout is identity in eval mode
    x = _gcn_conv(x, edge_index, W2, b2)
    return x

if __name__ == "__main__":
    import jax
    _d = setup_inputs()
    print(jax.jit(kernel)(*tuple(_d.values())))

</pallas_src>

<mosaic_0001>
#map = affine_map<(d0, d1) -> (0, 0)>
module attributes {stable_mosaic.version = 14 : i64} {
  func.func @_sc_degree_body(%arg0: i32, %arg1: i32, %arg2: memref<2592x128xi32, #tpu.memory_space<hbm>>, %arg3: memref<640x128xf32, #tpu.memory_space<hbm>>, %arg4: memref<128x128xf32, #tpu.memory_space<hbm>>, %arg5: memref<20480x128xf32, #tpu.memory_space<hbm>>, %arg6: memref<128xi32, #tpu.memory_space<vmem>>, %arg7: memref<128xi32, #tpu.memory_space<vmem>>, %arg8: memref<128x128xf32, #tpu.memory_space<vmem>>, %arg9: memref<10240x128xf32, #tpu.memory_space<vmem_shared>>, %arg10: memref<!tpu.dma_semaphore, #tpu.memory_space<semaphore_mem>>, %arg11: memref<!tpu.dma_semaphore, #tpu.memory_space<semaphore_mem>>) attributes {dimension_semantics = [#tpu.dimension_semantics<core_parallel>, #tpu.dimension_semantics<subcore_parallel>], iteration_bounds = array<i64: 2, 16>, scalar_prefetch = 0 : i64, scratch_operands = 6 : i64, tpu.core_type = #tpu.core_type<sc_vector_subcore>, window_params = [{transform_indices = #map}, {transform_indices = #map}, {transform_indices = #map}, {transform_indices = #map}]} {
    %mul3A = arith.constant 16 : i32
    %mul3A_0 = arith.muli %arg0, %mul3A : i32
    %add3A = arith.addi %mul3A_0, %arg1 : i32
    %mul3A_1 = arith.constant 80 : i32
    %mul3A_2 = arith.muli %add3A, %mul3A_1 : i32
    %mul3A_3 = arith.constant 640 : i32
    %mul3A_4 = arith.muli %arg1, %mul3A_3 : i32
    "tpu.region"() ({
      %run_scoped3A = tpu.sem_alloc : memref<!tpu.dma_semaphore, #tpu.memory_space<semaphore_mem>>
      %dma_start3A_47 = arith.constant 0 : i32
      %dma_start3A_48 = tpu.memref_slice %arg9[%mul3A_4, %dma_start3A_47] : memref<10240x128xf32, #tpu.memory_space<vmem_shared>> -> memref<640x128xf32, #tpu.memory_space<vmem_shared>>
      tpu.enqueue_dma source(%arg3 : memref<640x128xf32, #tpu.memory_space<hbm>>) target(%dma_start3A_48 : memref<640x128xf32, #tpu.memory_space<vmem_shared>>) target_semaphore(%run_scoped3A : memref<!tpu.dma_semaphore, #tpu.memory_space<semaphore_mem>>)
      %dma_wait3A_49 = arith.constant 0 : i32
      %dma_wait3A_50 = tpu.memref_slice %arg9[%mul3A_4, %dma_wait3A_49] : memref<10240x128xf32, #tpu.memory_space<vmem_shared>> -> memref<640x128xf32, #tpu.memory_space<vmem_shared>>
      tpu.wait_dma2 semaphore(%run_scoped3A : memref<!tpu.dma_semaphore, #tpu.memory_space<semaphore_mem>>) src(%arg3 : memref<640x128xf32, #tpu.memory_space<hbm>>) dst(%dma_wait3A_50 : memref<640x128xf32, #tpu.memory_space<vmem_shared>>)
      tpu.yield
    }) : () -> ()
    "tpu.region"() ({
      %run_scoped3A = tpu.sem_alloc : memref<!tpu.dma_semaphore, #tpu.memory_space<semaphore_mem>>
      tpu.enqueue_dma source(%arg4 : memref<128x128xf32, #tpu.memory_space<hbm>>) target(%arg8 : memref<128x128xf32, #tpu.memory_space<vmem>>) target_semaphore(%run_scoped3A : memref<!tpu.dma_semaphore, #tpu.memory_space<semaphore_mem>>)
      tpu.wait_dma2 semaphore(%run_scoped3A : memref<!tpu.dma_semaphore, #tpu.memory_space<semaphore_mem>>) src(%arg4 : memref<128x128xf32, #tpu.memory_space<hbm>>) dst(%arg8 : memref<128x128xf32, #tpu.memory_space<vmem>>)
      tpu.yield
    }) : () -> ()
    %barrier3A = arith.constant 0 : index
    tpu.barrier barrier_id(%barrier3A)
    %add3A_5 = arith.constant 0 : i32
    %add3A_6 = arith.addi %mul3A_2, %add3A_5 : i32
    %dma_start3A = arith.constant 0 : i32
    %dma_start3A_7 = tpu.memref_slice %arg2[%add3A_6, %dma_start3A] : memref<2592x128xi32, #tpu.memory_space<hbm>> -> memref<1x128xi32, #tpu.memory_space<hbm>>
    %dma_start3A_8 = tpu.memref_squeeze %dma_start3A_7 : memref<1x128xi32, #tpu.memory_space<hbm>> -> memref<128xi32, #tpu.memory_space<hbm>>
    %dma_start3A_9 = arith.constant 0 : i32
    %dma_start3A_10 = tpu.memref_slice %arg2[%add3A_6, %dma_start3A_9] : memref<2592x128xi32, #tpu.memory_space<hbm>> -> memref<1x128xi32, #tpu.memory_space<hbm>>
    %dma_start3A_11 = tpu.memref_squeeze %dma_start3A_10 : memref<1x128xi32, #tpu.memory_space<hbm>> -> memref<128xi32, #tpu.memory_space<hbm>>
    tpu.enqueue_dma source(%dma_start3A_11 : memref<128xi32, #tpu.memory_space<hbm>>) target(%arg6 : memref<128xi32, #tpu.memory_space<vmem>>) target_semaphore(%arg10 : memref<!tpu.dma_semaphore, #tpu.memory_space<semaphore_mem>>)
    %add3A_12 = arith.constant 1 : i32
    %add3A_13 = arith.addi %mul3A_2, %add3A_12 : i32
    %dma_start3A_14 = arith.constant 0 : i32
    %dma_start3A_15 = tpu.memref_slice %arg2[%add3A_13, %dma_start3A_14] : memref<2592x128xi32, #tpu.memory_space<hbm>> -> memref<1x128xi32, #tpu.memory_space<hbm>>
    %dma_start3A_16 = tpu.memref_squeeze %dma_start3A_15 : memref<1x128xi32, #tpu.memory_space<hbm>> -> memref<128xi32, #tpu.memory_space<hbm>>
    %dma_start3A_17 = arith.constant 0 : i32
    %dma_start3A_18 = tpu.memref_slice %arg2[%add3A_13, %dma_start3A_17] : memref<2592x128xi32, #tpu.memory_space<hbm>> -> memref<1x128xi32, #tpu.memory_space<hbm>>
    %dma_start3A_19 = tpu.memref_squeeze %dma_start3A_18 : memref<1x128xi32, #tpu.memory_space<hbm>> -> memref<128xi32, #tpu.memory_space<hbm>>
    tpu.enqueue_dma source(%dma_start3A_19 : memref<128xi32, #tpu.memory_space<hbm>>) target(%arg7 : memref<128xi32, #tpu.memory_space<vmem>>) target_semaphore(%arg11 : memref<!tpu.dma_semaphore, #tpu.memory_space<semaphore_mem>>)
    %scan3A = arith.constant 0 : i32
    %scan3A_20 = arith.constant 39 : i32
    %scan3A_21 = arith.addi %scan3A, %scan3A_20 : i32
    %scan3A_22 = arith.constant 1 : i32
    scf.for %scan3A_47 = %scan3A to %scan3A_21 step %scan3A_22  : i32 {
      %mul3A_48 = arith.constant 1 : i32
      %mul3A_49 = arith.muli %scan3A_47, %mul3A_48 : i32
      %add3A_50 = arith.constant 0 : i32
      %add3A_51 = arith.addi %add3A_50, %mul3A_49 : i32
      %mul3A_52 = arith.constant 2 : i32
      %mul3A_53 = arith.muli %mul3A_52, %add3A_51 : i32
      %add3A_54 = arith.addi %mul3A_2, %mul3A_53 : i32
      %dma_wait3A_55 = arith.constant 0 : i32
      %dma_wait3A_56 = tpu.memref_slice %arg2[%add3A_54, %dma_wait3A_55] : memref<2592x128xi32, #tpu.memory_space<hbm>> -> memref<1x128xi32, #tpu.memory_space<hbm>>
      %dma_wait3A_57 = tpu.memref_squeeze %dma_wait3A_56 : memref<1x128xi32, #tpu.memory_space<hbm>> -> memref<128xi32, #tpu.memory_space<hbm>>
      %dma_wait3A_58 = arith.constant 0 : i32
      %dma_wait3A_59 = tpu.memref_slice %arg2[%add3A_54, %dma_wait3A_58] : memref<2592x128xi32, #tpu.memory_space<hbm>> -> memref<1x128xi32, #tpu.memory_space<hbm>>
      %dma_wait3A_60 = tpu.memref_squeeze %dma_wait3A_59 : memref<1x128xi32, #tpu.memory_space<hbm>> -> memref<128xi32, #tpu.memory_space<hbm>>
      tpu.wait_dma2 semaphore(%arg10 : memref<!tpu.dma_semaphore, #tpu.memory_space<semaphore_mem>>) src(%dma_wait3A_60 : memref<128xi32, #tpu.memory_space<hbm>>) dst(%arg6 : memref<128xi32, #tpu.memory_space<vmem>>)
      "tpu.region"() ({
        %run_scoped3A = tpu.sem_alloc : memref<!tpu.dma_semaphore, #tpu.memory_space<semaphore_mem>>
        %dma_start3A_88 = arith.constant 0 : i32
        %dma_start3A_89 = arith.constant 0 : i32
        %dma_start3A_90 = tpu.memref_slice %arg9[%dma_start3A_88, %dma_start3A_89] : memref<10240x128xf32, #tpu.memory_space<vmem_shared>> -> memref<10240x128xf32, #tpu.memory_space<vmem_shared>>
        tpu.enqueue_indirect_dma source(%arg8 : memref<128x128xf32, #tpu.memory_space<vmem>>) target(%dma_start3A_90 : memref<10240x128xf32, #tpu.memory_space<vmem_shared>>) offsets(%arg6 : memref<128xi32, #tpu.memory_space<vmem>>) semaphore(%run_scoped3A : memref<!tpu.dma_semaphore, #tpu.memory_space<semaphore_mem>>) {add = true}
        %dma_wait3A_91 = arith.constant 0 : i32
        %dma_wait3A_92 = arith.constant 0 : i32
        %dma_wait3A_93 = tpu.memref_slice %arg9[%dma_wait3A_91, %dma_wait3A_92] : memref<10240x128xf32, #tpu.memory_space<vmem_shared>> -> memref<10240x128xf32, #tpu.memory_space<vmem_shared>>
        tpu.wait_indirect_dma semaphore(%run_scoped3A : memref<!tpu.dma_semaphore, #tpu.memory_space<semaphore_mem>>) src(%arg8 : memref<128x128xf32, #tpu.memory_space<vmem>>) dst(%dma_wait3A_93 : memref<10240x128xf32, #tpu.memory_space<vmem_shared>>)
        tpu.yield
      }) : () -> ()
      %add3A_61 = arith.constant 2 : i32
      %add3A_62 = arith.addi %mul3A_53, %add3A_61 : i32
      %add3A_63 = arith.addi %mul3A_2, %add3A_62 : i32
      %dma_start3A_64 = arith.constant 0 : i32
      %dma_start3A_65 = tpu.memref_slice %arg2[%add3A_63, %dma_start3A_64] : memref<2592x128xi32, #tpu.memory_space<hbm>> -> memref<1x128xi32, #tpu.memory_space<hbm>>
      %dma_start3A_66 = tpu.memref_squeeze %dma_start3A_65 : memref<1x128xi32, #tpu.memory_space<hbm>> -> memref<128xi32, #tpu.memory_space<hbm>>
      %dma_start3A_67 = arith.constant 0 : i32
      %dma_start3A_68 = tpu.memref_slice %arg2[%add3A_63, %dma_start3A_67] : memref<2592x128xi32, #tpu.memory_space<hbm>> -> memref<1x128xi32, #tpu.memory_space<hbm>>
      %dma_start3A_69 = tpu.memref_squeeze %dma_start3A_68 : memref<1x128xi32, #tpu.memory_space<hbm>> -> memref<128xi32, #tpu.memory_space<hbm>>
      tpu.enqueue_dma source(%dma_start3A_69 : memref<128xi32, #tpu.memory_space<hbm>>) target(%arg6 : memref<128xi32, #tpu.memory_space<vmem>>) target_semaphore(%arg10 : memref<!tpu.dma_semaphore, #tpu.memory_space<semaphore_mem>>)
      %add3A_70 = arith.constant 1 : i32
      %add3A_71 = arith.addi %mul3A_53, %add3A_70 : i32
      %add3A_72 = arith.addi %mul3A_2, %add3A_71 : i32
      %dma_wait3A_73 = arith.constant 0 : i32
      %dma_wait3A_74 = tpu.memref_slice %arg2[%add3A_72, %dma_wait3A_73] : memref<2592x128xi32, #tpu.memory_space<hbm>> -> memref<1x128xi32, #tpu.memory_space<hbm>>
      %dma_wait3A_75 = tpu.memref_squeeze %dma_wait3A_74 : memref<1x128xi32, #tpu.memory_space<hbm>> -> memref<128xi32, #tpu.memory_space<hbm>>
      %dma_wait3A_76 = arith.constant 0 : i32
      %dma_wait3A_77 = tpu.memref_slice %arg2[%add3A_72, %dma_wait3A_76] : memref<2592x128xi32, #tpu.memory_space<hbm>> -> memref<1x128xi32, #tpu.memory_space<hbm>>
      %dma_wait3A_78 = tpu.memref_squeeze %dma_wait3A_77 : memref<1x128xi32, #tpu.memory_space<hbm>> -> memref<128xi32, #tpu.memory_space<hbm>>
      tpu.wait_dma2 semaphore(%arg11 : memref<!tpu.dma_semaphore, #tpu.memory_space<semaphore_mem>>) src(%dma_wait3A_78 : memref<128xi32, #tpu.memory_space<hbm>>) dst(%arg7 : memref<128xi32, #tpu.memory_space<vmem>>)
      "tpu.region"() ({
        %run_scoped3A = tpu.sem_alloc : memref<!tpu.dma_semaphore, #tpu.memory_space<semaphore_mem>>
        %dma_start3A_88 = arith.constant 0 : i32
        %dma_start3A_89 = arith.constant 0 : i32
        %dma_start3A_90 = tpu.memref_slice %arg9[%dma_start3A_88, %dma_start3A_89] : memref<10240x128xf32, #tpu.memory_space<vmem_shared>> -> memref<10240x128xf32, #tpu.memory_space<vmem_shared>>
        tpu.enqueue_indirect_dma source(%arg8 : memref<128x128xf32, #tpu.memory_space<vmem>>) target(%dma_start3A_90 : memref<10240x128xf32, #tpu.memory_space<vmem_shared>>) offsets(%arg7 : memref<128xi32, #tpu.memory_space<vmem>>) semaphore(%run_scoped3A : memref<!tpu.dma_semaphore, #tpu.memory_space<semaphore_mem>>) {add = true}
        %dma_wait3A_91 = arith.constant 0 : i32
        %dma_wait3A_92 = arith.constant 0 : i32
        %dma_wait3A_93 = tpu.memref_slice %arg9[%dma_wait3A_91, %dma_wait3A_92] : memref<10240x128xf32, #tpu.memory_space<vmem_shared>> -> memref<10240x128xf32, #tpu.memory_space<vmem_shared>>
        tpu.wait_indirect_dma semaphore(%run_scoped3A : memref<!tpu.dma_semaphore, #tpu.memory_space<semaphore_mem>>) src(%arg8 : memref<128x128xf32, #tpu.memory_space<vmem>>) dst(%dma_wait3A_93 : memref<10240x128xf32, #tpu.memory_space<vmem_shared>>)
        tpu.yield
      }) : () -> ()
      %add3A_79 = arith.constant 3 : i32
      %add3A_80 = arith.addi %mul3A_53, %add3A_79 : i32
      %add3A_81 = arith.addi %mul3A_2, %add3A_80 : i32
      %dma_start3A_82 = arith.constant 0 : i32
      %dma_start3A_83 = tpu.memref_slice %arg2[%add3A_81, %dma_start3A_82] : memref<2592x128xi32, #tpu.memory_space<hbm>> -> memref<1x128xi32, #tpu.memory_space<hbm>>
      %dma_start3A_84 = tpu.memref_squeeze %dma_start3A_83 : memref<1x128xi32, #tpu.memory_space<hbm>> -> memref<128xi32, #tpu.memory_space<hbm>>
      %dma_start3A_85 = arith.constant 0 : i32
      %dma_start3A_86 = tpu.memref_slice %arg2[%add3A_81, %dma_start3A_85] : memref<2592x128xi32, #tpu.memory_space<hbm>> -> memref<1x128xi32, #tpu.memory_space<hbm>>
      %dma_start3A_87 = tpu.memref_squeeze %dma_start3A_86 : memref<1x128xi32, #tpu.memory_space<hbm>> -> memref<128xi32, #tpu.memory_space<hbm>>
      tpu.enqueue_dma source(%dma_start3A_87 : memref<128xi32, #tpu.memory_space<hbm>>) target(%arg7 : memref<128xi32, #tpu.memory_space<vmem>>) target_semaphore(%arg11 : memref<!tpu.dma_semaphore, #tpu.memory_space<semaphore_mem>>)
    }
    %scan3A_23 = arith.constant 39 : i32
    %add3A_24 = arith.constant 78 : i32
    %add3A_25 = arith.addi %mul3A_2, %add3A_24 : i32
    %dma_wait3A = arith.constant 0 : i32
    %dma_wait3A_26 = tpu.memref_slice %arg2[%add3A_25, %dma_wait3A] : memref<2592x128xi32, #tpu.memory_space<hbm>> -> memref<1x128xi32, #tpu.memory_space<hbm>>
    %dma_wait3A_27 = tpu.memref_squeeze %dma_wait3A_26 : memref<1x128xi32, #tpu.memory_space<hbm>> -> memref<128xi32, #tpu.memory_space<hbm>>
    %dma_wait3A_28 = arith.constant 0 : i32
    %dma_wait3A_29 = tpu.memref_slice %arg2[%add3A_25, %dma_wait3A_28] : memref<2592x128xi32, #tpu.memory_space<hbm>> -> memref<1x128xi32, #tpu.memory_space<hbm>>
    %dma_wait3A_30 = tpu.memref_squeeze %dma_wait3A_29 : memref<1x128xi32, #tpu.memory_space<hbm>> -> memref<128xi32, #tpu.memory_space<hbm>>
    tpu.wait_dma2 semaphore(%arg10 : memref<!tpu.dma_semaphore, #tpu.memory_space<semaphore_mem>>) src(%dma_wait3A_30 : memref<128xi32, #tpu.memory_space<hbm>>) dst(%arg6 : memref<128xi32, #tpu.memory_space<vmem>>)
    "tpu.region"() ({
      %run_scoped3A = tpu.sem_alloc : memref<!tpu.dma_semaphore, #tpu.memory_space<semaphore_mem>>
      %dma_start3A_47 = arith.constant 0 : i32
      %dma_start3A_48 = arith.constant 0 : i32
      %dma_start3A_49 = tpu.memref_slice %arg9[%dma_start3A_47, %dma_start3A_48] : memref<10240x128xf32, #tpu.memory_space<vmem_shared>> -> memref<10240x128xf32, #tpu.memory_space<vmem_shared>>
      tpu.enqueue_indirect_dma source(%arg8 : memref<128x128xf32, #tpu.memory_space<vmem>>) target(%dma_start3A_49 : memref<10240x128xf32, #tpu.memory_space<vmem_shared>>) offsets(%arg6 : memref<128xi32, #tpu.memory_space<vmem>>) semaphore(%run_scoped3A : memref<!tpu.dma_semaphore, #tpu.memory_space<semaphore_mem>>) {add = true}
      %dma_wait3A_50 = arith.constant 0 : i32
      %dma_wait3A_51 = arith.constant 0 : i32
      %dma_wait3A_52 = tpu.memref_slice %arg9[%dma_wait3A_50, %dma_wait3A_51] : memref<10240x128xf32, #tpu.memory_space<vmem_shared>> -> memref<10240x128xf32, #tpu.memory_space<vmem_shared>>
      tpu.wait_indirect_dma semaphore(%run_scoped3A : memref<!tpu.dma_semaphore, #tpu.memory_space<semaphore_mem>>) src(%arg8 : memref<128x128xf32, #tpu.memory_space<vmem>>) dst(%dma_wait3A_52 : memref<10240x128xf32, #tpu.memory_space<vmem_shared>>)
      tpu.yield
    }) : () -> ()
    %add3A_31 = arith.constant 79 : i32
    %add3A_32 = arith.addi %mul3A_2, %add3A_31 : i32
    %dma_wait3A_33 = arith.constant 0 : i32
    %dma_wait3A_34 = tpu.memref_slice %arg2[%add3A_32, %dma_wait3A_33] : memref<2592x128xi32, #tpu.memory_space<hbm>> -> memref<1x128xi32, #tpu.memory_space<hbm>>
    %dma_wait3A_35 = tpu.memref_squeeze %dma_wait3A_34 : memref<1x128xi32, #tpu.memory_space<hbm>> -> memref<128xi32, #tpu.memory_space<hbm>>
    %dma_wait3A_36 = arith.constant 0 : i32
    %dma_wait3A_37 = tpu.memref_slice %arg2[%add3A_32, %dma_wait3A_36] : memref<2592x128xi32, #tpu.memory_space<hbm>> -> memref<1x128xi32, #tpu.memory_space<hbm>>
    %dma_wait3A_38 = tpu.memref_squeeze %dma_wait3A_37 : memref<1x128xi32, #tpu.memory_space<hbm>> -> memref<128xi32, #tpu.memory_space<hbm>>
    tpu.wait_dma2 semaphore(%arg11 : memref<!tpu.dma_semaphore, #tpu.memory_space<semaphore_mem>>) src(%dma_wait3A_38 : memref<128xi32, #tpu.memory_space<hbm>>) dst(%arg7 : memref<128xi32, #tpu.memory_space<vmem>>)
    "tpu.region"() ({
      %run_scoped3A = tpu.sem_alloc : memref<!tpu.dma_semaphore, #tpu.memory_space<semaphore_mem>>
      %dma_start3A_47 = arith.constant 0 : i32
      %dma_start3A_48 = arith.constant 0 : i32
      %dma_start3A_49 = tpu.memref_slice %arg9[%dma_start3A_47, %dma_start3A_48] : memref<10240x128xf32, #tpu.memory_space<vmem_shared>> -> memref<10240x128xf32, #tpu.memory_space<vmem_shared>>
      tpu.enqueue_indirect_dma source(%arg8 : memref<128x128xf32, #tpu.memory_space<vmem>>) target(%dma_start3A_49 : memref<10240x128xf32, #tpu.memory_space<vmem_shared>>) offsets(%arg7 : memref<128xi32, #tpu.memory_space<vmem>>) semaphore(%run_scoped3A : memref<!tpu.dma_semaphore, #tpu.memory_space<semaphore_mem>>) {add = true}
      %dma_wait3A_50 = arith.constant 0 : i32
      %dma_wait3A_51 = arith.constant 0 : i32
      %dma_wait3A_52 = tpu.memref_slice %arg9[%dma_wait3A_50, %dma_wait3A_51] : memref<10240x128xf32, #tpu.memory_space<vmem_shared>> -> memref<10240x128xf32, #tpu.memory_space<vmem_shared>>
      tpu.wait_indirect_dma semaphore(%run_scoped3A : memref<!tpu.dma_semaphore, #tpu.memory_space<semaphore_mem>>) src(%arg8 : memref<128x128xf32, #tpu.memory_space<vmem>>) dst(%dma_wait3A_52 : memref<10240x128xf32, #tpu.memory_space<vmem_shared>>)
      tpu.yield
    }) : () -> ()
    %barrier3A_39 = arith.constant 0 : index
    tpu.barrier barrier_id(%barrier3A_39)
    %mul3A_40 = arith.constant 640 : i32
    %mul3A_41 = arith.muli %arg1, %mul3A_40 : i32
    %mul3A_42 = arith.constant 10240 : i32
    %mul3A_43 = arith.muli %arg0, %mul3A_42 : i32
    %mul3A_44 = arith.constant 640 : i32
    %mul3A_45 = arith.muli %arg1, %mul3A_44 : i32
    %add3A_46 = arith.addi %mul3A_43, %mul3A_45 : i32
    "tpu.region"() ({
      %run_scoped3A = tpu.sem_alloc : memref<!tpu.dma_semaphore, #tpu.memory_space<semaphore_mem>>
      %dma_start3A_47 = arith.constant 0 : i32
      %dma_start3A_48 = tpu.memref_slice %arg5[%add3A_46, %dma_start3A_47] : memref<20480x128xf32, #tpu.memory_space<hbm>> -> memref<640x128xf32, #tpu.memory_space<hbm>>
      %dma_start3A_49 = arith.constant 0 : i32
      %dma_start3A_50 = tpu.memref_slice %arg9[%mul3A_41, %dma_start3A_49] : memref<10240x128xf32, #tpu.memory_space<vmem_shared>> -> memref<640x128xf32, #tpu.memory_space<vmem_shared>>
      tpu.enqueue_dma source(%dma_start3A_50 : memref<640x128xf32, #tpu.memory_space<vmem_shared>>) target(%dma_start3A_48 : memref<640x128xf32, #tpu.memory_space<hbm>>) target_semaphore(%run_scoped3A : memref<!tpu.dma_semaphore, #tpu.memory_space<semaphore_mem>>)
      %dma_wait3A_51 = arith.constant 0 : i32
      %dma_wait3A_52 = tpu.memref_slice %arg5[%add3A_46, %dma_wait3A_51] : memref<20480x128xf32, #tpu.memory_space<hbm>> -> memref<640x128xf32, #tpu.memory_space<hbm>>
      %dma_wait3A_53 = arith.constant 0 : i32
      %dma_wait3A_54 = tpu.memref_slice %arg9[%mul3A_41, %dma_wait3A_53] : memref<10240x128xf32, #tpu.memory_space<vmem_shared>> -> memref<640x128xf32, #tpu.memory_space<vmem_shared>>
      tpu.wait_dma2 semaphore(%run_scoped3A : memref<!tpu.dma_semaphore, #tpu.memory_space<semaphore_mem>>) src(%dma_wait3A_54 : memref<640x128xf32, #tpu.memory_space<vmem_shared>>) dst(%dma_wait3A_52 : memref<640x128xf32, #tpu.memory_space<hbm>>)
      tpu.yield
    }) : () -> ()
    return
  }
}

</mosaic_0001>

<sc_bundles>
// kernel: _sc_degree.3.cloned.1.call-start
scs
__scs_entry_jumppad:
0x0: {  	(pc) =	sbr.rel $0x88, $3  }
0x1: {  	(tag) =	ssettag $0x0;
	lr =	simm.s32 $0x1  }
0x2: {  	[smem:$0x3F9E] =	sst lr;
	_ =	strace $0xD0000000  }
0x3: {  	_ = 	snop  }
0x4: {  	_ = 	snop  }
0x5: {  	_ = 	snop  }
0x6: {  	_ = 	snop  }
0x7: {  	_ = 	snop  }
__scs_overlays_trampoline_lowered:
0x8: {  	[smem:$0x3FAD] =	sst s0  }
0x9: {  	[smem:$0x3FAE] =	sst s1  }
0xa: {  	[smem:$0x3FAF] =	sst s2  }
0xb: {  	[smem:$0x3FB0] =	sst s3  }
0xc: {  	[smem:$0x3FB1] =	sst s4  }
0xd: {  	[smem:$0x3FB2] =	sst s5  }
0xe: {  	[smem:$0x3FB3] =	sst s6  }
0xf: {  	[smem:$0x3FB4] =	sst s7  }
0x10: {  	[smem:$0x3FB5] =	sst s8  }
0x11: {  	[smem:$0x3FB6] =	sst s9;
	s0 =	simm.s32 @!p0 $0x0  }
0x12: {  	s1 =	sld [smem:$0x3F9C];
	s0 =	simm.s32 @p0 $0x1  }
0x13: {  	[smem:$0x3FB7] =	sst s0;
	s0 =	simm.s32 @!p1 $0x0  }
0x14: {  	s2 =	sld [smem:$0x3F9B];
	s0 =	simm.s32 @p1 $0x1  }
0x15: {  	[smem:$0x3FB8] =	sst s0;
	s0 =	simm.s32 @!p2 $0x0  }
0x16: {  	s3 =	sld [smem:$0x3FDB];
	s0 =	simm.s32 @p2 $0x1  }
0x17: {  	s4 =	simm.s32 $0x1BF5;
	[smem:$0x3FBA] =	sst s0  }
0x18: {  	s0 =	sld [smem:$0x3F9D];
	_ =	swait.ge [sflag:s4], $0x0  }
0x19: {  	s7 =	sld [smem:$0x3F9E]  }
0x1a: {  	s8 =	sadd.s32 $0xFFFFE003, lr  }
0x1b: {  	s9 =	sadd.s32 $0xFFFFFEF7, lr;
	s5 =	simm.s32 $0xFFFFFFFF;
	p2 =	slt.u32 s8, $0xFFFFF086  }
0x1c: {  	p1 =	slt.u32 s9, $0xF7A;
	s5 =	simm.s32 @!p2 $0x0  }
0x1d: {  	s5 =	simm.s32 @p1 $0x1;
	p0 =	seq.s32 s7, s2  }
0x1e: {  	s7 =	smul.u32 @!p0 $0xF7A, s2;
	p2 =	seq.s32 @!p0 s5, $0x0  }
0x1f: {  	s9 =	smul.u32 $0xF7A, s1;
	s8 =	simm.s32 @!p0 $0x1BF5;
	p2 =	por !p2, p0  }
0x20: {  	[sflag:s8] =	ssyncset.s32 @!p0 $0xFFFFF086;
	s6 =	sadd.s32 @!p0 s3, s7;
	s7 =	simm.s32 @!p0 $0x108  }
0x21: {  	s3 =	sadd.s32 s3, s9;
	s6 =	sadd.s32 @!p0 $0x88, s6;
	s7 =	simm.s32 @p2 $0x1082  }
0x22: {  	[simem:s7], [sflag:s8] =	dma.local @!p0 [hbm:s6], $0xF7A  }
0x23: {  	s9 =	sor.u32 $0xD0000000, s2;
	s6 =	simm.s32 $0x108;
	_ =	swait.ge @!p0 [sflag:s8], $0x0  }
0x24: {  	s3 =	sadd.s32 $0x88, s3;
	s6 =	simm.s32 @!p1 $0x1082;
	[sflag:s4] =	ssyncset.s32 $0xFFFFF086  }
0x25: {  	[simem:s6], [sflag:s4] =	dma.local [hbm:s3], $0xF7A  }
0x26: {  	[smem:$0x3F9E] =	sst s1;
	(tag) =	ssettag s2;
	_ =	strace s9  }
0x27: {  	s1 =	sld [smem:$0x3FAE]  }
0x28: {  	s2 =	sld [smem:$0x3FAF]  }
0x29: {  	s4 =	sld [smem:$0x3FB1]  }
0x2a: {  	p0 =	seq.s32 s5, $0x0;
	s5 =	sld [smem:$0x3FB2]  }
0x2b: {  	s6 =	sld [smem:$0x3FB3]  }
0x2c: {  	s7 =	sld [smem:$0x3FB4]  }
0x2d: {  	s3 =	simm.s32 $0x108;
	s8 =	sld [smem:$0x3FB5]  }
0x2e: {  	s3 =	simm.s32 @!p0 $0x1082;
	s9 =	sld [smem:$0x3FB6]  }
0x2f: {  	lr =	sadd.s32 s0, s3;
	s0 =	sld [smem:$0x3FAD]  }
0x30: {  	s3 =	sld [smem:$0x3FB0]  }
0x31: {  	[smem:$0x3FB9] =	sst s10  }
0x32: {  	s10 =	sld [smem:$0x3FB7];
	_ =	sdelay $0x3  }
0x33: {  	p0 =	seq.s32 s10, $0x1;
	s10 =	sld [smem:$0x3FB9];
	_ =	sdelay $0x3  }
0x34: {  	[smem:$0x3FB9] =	sst s10  }
0x35: {  	s10 =	sld [smem:$0x3FB8];
	_ =	sdelay $0x3  }
0x36: {  	p1 =	seq.s32 s10, $0x1;
	s10 =	sld [smem:$0x3FB9];
	_ =	sdelay $0x3  }
0x37: {  	[smem:$0x3FB9] =	sst s10  }
0x38: {  	s10 =	sld [smem:$0x3FBA]  }
0x39: {  	_ = 	snop;
	(pc) =	sbr.ind lr, $3  }
0x3a: {  	_ = 	snop  }
0x3b: {  	_ = 	snop  }
0x3c: {  	p2 =	seq.s32 s10, $0x1;
	s10 =	sld [smem:$0x3FB9]  }
0x3d: {  	_ =	shalt  }
0x3e: {  	_ =	shalt  }
0x3f: {  	_ =	shalt  }
0x40: {  	_ =	shalt  }
0x41: {  	_ =	shalt  }
0x42: {  	_ =	shalt  }
0x43: {  	_ =	shalt  }
0x44: {  	_ =	shalt  }
0x45: {  	_ =	shalt  }
0x46: {  	_ =	shalt  }
0x47: {  	_ =	shalt  }
0x48: {  	_ =	shalt  }
0x49: {  	_ =	shalt  }
0x4a: {  	_ =	shalt  }
0x4b: {  	_ =	shalt  }
0x4c: {  	_ =	shalt  }
0x4d: {  	_ =	shalt  }
0x4e: {  	_ =	shalt  }
0x4f: {  	_ =	shalt  }
0x50: {  	_ =	shalt  }
0x51: {  	_ =	shalt  }
0x52: {  	_ =	shalt  }
0x53: {  	_ =	shalt  }
0x54: {  	_ =	shalt  }
0x55: {  	_ =	shalt  }
0x56: {  	_ =	shalt  }
0x57: {  	_ =	shalt  }
0x58: {  	_ =	shalt  }
0x59: {  	_ =	shalt  }
0x5a: {  	_ =	shalt  }
0x5b: {  	_ =	shalt  }
0x5c: {  	_ =	shalt  }
0x5d: {  	_ =	shalt  }
0x5e: {  	_ =	shalt  }
0x5f: {  	_ =	shalt  }
0x60: {  	_ =	shalt  }
0x61: {  	_ =	shalt  }
0x62: {  	_ =	shalt  }
0x63: {  	_ =	shalt  }
0x64: {  	_ =	shalt  }
0x65: {  	_ =	shalt  }
0x66: {  	_ =	shalt  }
0x67: {  	_ =	shalt  }
0x68: {  	_ =	shalt  }
0x69: {  	_ =	shalt  }
0x6a: {  	_ =	shalt  }
0x6b: {  	_ =	shalt  }
0x6c: {  	_ =	shalt  }
0x6d: {  	_ =	shalt  }
0x6e: {  	_ =	shalt  }
0x6f: {  	_ =	shalt  }
0x70: {  	_ =	shalt  }
0x71: {  	_ =	shalt  }
0x72: {  	_ =	shalt  }
0x73: {  	_ =	shalt  }
0x74: {  	_ =	shalt  }
0x75: {  	_ =	shalt  }
0x76: {  	_ =	shalt  }
0x77: {  	_ =	shalt  }
0x78: {  	_ =	shalt  }
0x79: {  	_ =	shalt  }
0x7a: {  	_ =	shalt  }
0x7b: {  	_ =	shalt  }
0x7c: {  	_ =	shalt  }
0x7d: {  	_ =	shalt  }
0x7e: {  	_ =	shalt  }
0x7f: {  	_ =	shalt  }
0x80: {  	_ =	shalt  }
0x81: {  	_ =	shalt  }
0x82: {  	_ =	shalt  }
0x83: {  	_ =	shalt  }
0x84: {  	_ =	shalt  }
0x85: {  	_ =	shalt  }
0x86: {  	_ =	shalt  }
0x87: {  	_ =	shalt  }
.Lfunc_end0:
.L_simem_size_0:
called_computation_lowered:
.L_overlay_start_0:
0x88: {  	s2 =	sld [smem:$0x3FD9]  }
0x89: {  	s3 =	sld [smem:$0x3FFE];
	_ =	sdelay $0x1  }
0x8a: {  	s1 =	srdreg.scid  }
0x8b: {  	s0 =	sand.u32 $0x1, s1  }
0x8c: {  	s18 =	sshll.u32 s0, $0xA;
	s2 =	sadd.s32 s3, s2  }
0x8d: {  	s2 =	sadd.s32 s2, s18  }
0x8e: {  	[smem:$0x3FC5] =	sst s2  }
0x8f: {  	_ = 	snop  }
0x90: {  	s2 =	sld [smem:$0x3FC9]  }
0x91: {  	s19 =	sld [smem:$0x3FC8]  }
0x92: {  	s4 =	sld [smem:$0x3FC7]  }
0x93: {  	s5 =	sld [smem:$0x3FD0];
	(tm) =	ssettm $0x1  }
0x94: {  	s6 =	sld [smem:$0x3FFB];
	_ =	sdelay $0x3  }
0x95: {  	_ =	strace s6  }
0x96: {  	s6 =	sld [smem:$0x3FFC];
	_ =	sdelay $0x3  }
0x97: {  	_ =	strace s6  }
0x98: {  	s6 =	sld [smem:$0x3FFD];
	_ =	sdelay $0x3  }
0x99: {  	_ =	strace s6  }
0x9a: {  	_ =	strace $0x8FFFFFFF  }
0x9b: {  	s20 =	sld [smem:$0x3FDB];
	_ =	sdelay $0x1  }
0x9c: {  	s7 =	simm.s32 $_scs_section_size  }
0x9d: {  	s8 =	simm.s32 $_size__tile_overlayer_lowered;
	s9 =	simm.s32 $_tile_overlayer_lowered  }
0x9e: {  	s23 =	simm.s32 $0x1BFF;
	s22 =	sshll.u32 s9, $0x1;
	s6 =	sadd.s32 s7, s20  }
0x9f: {  	s10 =	simm.s32 $0x0;
	s21 =	sshll.u32 s8, $0x1;
	s8 =	sadd.s32 s22, s6  }
0xa0: {  	[timem:s10], [sflag:s23] =	dma.local [hbm:s8], s21  }
0xa1: {  	_ =	swait.ge [sflag:s23], s21  }
0xa2: {  	s7 =	ssub.s32 $0x0, s21;
	[sflag:s23] =	ssyncset.done $0x0  }
0xa3: {  	[sflag:s23] =	ssyncadd.s32 s7;
	_ =	sdelay $0x1  }
0xa4: {  	s24 =	simm.s32 $0x1B8B  }
0xa5: {  	_ =	swait.ge [sflag:s24], $0x1  }
0xa6: {  	[sflag:s24] =	ssyncset.done $0x0  }
0xa7: {  	s25 =	simm.s32 $0x1B8E;
	[sflag:s24] =	ssyncadd.s32 $0xFFFFFFFF  }
0xa8: {  	s26 =	simm.s32 $execute0_lowered;
	[smem:$0x3FD2] =	sst s25  }
0xa9: {  	s7 =	sshll.u32 s26, $0x1;
	_ =	strace $0x80000046;
	[dreg:$0x1] =	wrdreg $0xFFFFFFFF  }
0xaa: {  	s28 =	simm.s32 $_size_execute0_lowered;
	s6 =	sadd.s32 s6, s7;
	[dreg:$0x0] =	wrdreg $0x0  }
0xab: {  	s7 =	sshll.u32 s28, $0x1;
	[dreg:$0x2] =	wrdreg s6  }
0xac: {  	[dreg:$0x3] =	wrdreg s7  }
0xad: {  	[dreg:$0x4] =	wrdreg $0xC0  }
0xae: {  	_ =	task [dreg:s10], $0x5FFFF  }
0xaf: {  	[dreg:$0x1] =	wrdreg $0xFFFFFFFF  }
0xb0: {  	[dreg:$0x0] =	wrdreg $0x60  }
0xb1: {  	[dreg:$0x2] =	wrdreg s2  }
0xb2: {  	[dreg:$0x3] =	wrdreg s19  }
0xb3: {  	[dreg:$0x4] =	wrdreg s4  }
0xb4: {  	[dreg:$0x5] =	wrdreg s5  }
0xb5: {  	[dreg:$0x6] =	wrdreg $0x41000  }
0xb6: {  	[dreg:$0x7] =	wrdreg $0x9  }
0xb7: {  	_ =	task.clear_ibuf [dreg:s10], $0x8FFFF;
	_ =	strace $0x90000046  }
0xb8: {  	s29 =	simm.s32 $0x9;
	_ =	strace $0x80000048  }
0xb9: {  	_ =	swait.ge [sflag:s29], $0x1  }
0xba: {  	[sflag:s29] =	ssyncadd.s32 $0xFFFFFFFF  }
0xbb: {  	_ =	strace $0x90000048  }
0xbc: {  	_ =	sfence  }
0xbd: {  	s30 =	sld [smem:$0x0];
	_ =	sdelay $0x2  }
0xbe: {  	s31 =	sshll.u32 s1, $0xD;
	s1 =	sshrl.u32 s1, $0x2  }
0xbf: {  	s3 =	sand.u32 $0x4000, s31;
	s1 =	sadd.s32 s1, s30  }
0xc0: {  	s0 =	sor.u32 s3, s0;
	s1 =	sshll.u32 s1, $0x11  }
0xc1: {  	s0 =	sor.u32 s1, s0  }
0xc2: {  	s0 =	sadd.s32 $0x8F2B, s0  }
0xc3: {  	[sflag:s0] =	ssyncadd.remote.s32 $0x1  }
0xc4: {  	_ =	sfence.sel $0xFFFF  }
0xc5: {  	[dreg:$0x0] =	wrdreg $0xFFFFFFFF;
	(pc) =	sbr.abs _section_cstart, $3  }
0xc6: {  	[dreg:$0x1] =	wrdreg $0xFFFFFFFF  }
0xc7: {  	_ =	task.clear_ibuf [dreg:s10], $0x2FFFF;
	_ =	strace $0x9FFFFFFF  }
0xc8: {  	(tm) =	ssettm $0x7FFFFFFF  }
0xc9: {  	_ =	shalt  }
tec
execute0_lowered:
.L_overlay_start_1:
0x0: {  	(tag) =	ssettag $0x1  }
0x1: {  	s1 =	rddreg [dreg:$0x0]  }
0x2: {  	s2 =	rddreg [dreg:$0x1]  }
0x3: {  	s3 =	rddreg [dreg:$0x2]  }
0x4: {  	s10 =	rddreg [dreg:$0x3]  }
0x5: {  	s5 =	rddreg [dreg:$0x4]  }
0x6: {  	s0 =	rddreg [dreg:$0x5];
	s7 =	srdreg.scid  }
0x7: {  	s6 =	simm.s32 $0x0;
	s4 =	stileid.u32;
	s17 =	simm.s32 $0x1  }
0x8: {  	s18 =	simm.s32 $0x2;
	s19 =	simm.s32 $0x0;
	s9 =	smul.u32 $0x2800, s4  }
0x9: {  	s7 =	sand.u32 $0x1, s7;
	[smem:$0x7FF] =	sst s6;
	s12 =	smul.u32 $0x50000, s4  }
0xa: {  	s31 =	sshll.u32 s4, $0x6;
	s16 =	smul.u32 $0x500, s4;
	s8 =	sshll.u32 s7, $0x4  }
0xb: {  	s11 =	ssub.s32 $0x2, s7;
	_ =	strace $0x80000047;
	s30 =	smul.u32 $0x28000, s7  }
0xc: {  	s15 =	smul.u32 $0x5000, s7;
	s8 =	sor.u32 s4, s8;
	s13 =	sshrl.u32 s11, $0x1  }
0xd: {  	s12 =	sshrl.u32 s12, $0x2;
	s8 =	smul.u32 $0x500, s8;
	s11 =	ssub.s32 s11, s13  }
0xe: {  	s14 =	sadd.s32 s12, s5;
	s13 =	sadd.s32 s9, s30;
	s12 =	sadd.s32 s16, s15  }
0xf: {  	s15 =	simm.s32 $0x100;
	s16 =	simm.s32 $0x80;
	s10 =	sadd.s32 s10, s13  }
0x10: {  	s11 =	smax.u32 s11, $0x1;
	s13 =	sshrl.u32 s14, $0x3;
	s7 =	sadd.s32 s1, s8  }
0x11: {  	s14 =	simm.s32 $0x3;
	s8 =	sor.u32 $0x1C03, s31;
	s9 =	sadd.s32 $0x10, s7  }
.LBB2_1:
0x12: {  	[spmem:s13], [sflag:s8] =	dma.local [hbm:s2], $0x2800  }
0x13: {  	_ =	swait.ge [sflag:s14], $0x2800  }
0x14: {  	[sflag:s14] =	ssyncset.done $0x0  }
0x15: {  	[sflag:s14] =	ssyncadd.s32 $0xFFFFD800  }
0x16: {  	[tilespmem:s15], [sflag:$0x3] =	stream.linear.gather [hbm4b:s3+s6], $0x4000, $0x38;
	[tilespmem:$0x18100] =	vst v63  }
0x17: {  	_ =	swait.ge [sflag:s14], $0x4000  }
0x18: {  	[sflag:s14] =	ssyncset.done $0x0  }
0x19: {  	[sflag:s14] =	ssyncadd.s32 $0xFFFFC000  }
0x1a: {  	[bflag:$0x0] =	sbarrier.arrive $0xFFFF  }
0x1b: {  	[tilespmem:s6], [sflag:$0x1] =	stream.linear.gather [hbm4b:s7+s6], $0x80, $0x38;
	[tilespmem:$0x18100] =	vst v63  }
0x1c: {  	_ = 	snop  }
0x1d: {  	[tilespmem:s16], [sflag:$0x2] =	stream.linear.gather [hbm4b:s9+s6], $0x80, $0x38;
	[tilespmem:$0x18100] =	vst v63  }
0x1e: {  	_ =	swait.ge [sflag:s17], $0x80  }
0x1f: {  	[sflag:s17] =	ssyncset.done $0x0  }
0x20: {  	s20 =	sadd.s32 $0x30, s12;
	s21 =	simm.s32 $0x20;
	[sflag:s17] =	ssyncadd.s32 $0xFFFFFF80  }
0x21: {  	[spmem:s5] =	stream.indirect.scatter.add.f32 [tilespmem:s15], [sflag:$0x3], $0x80, s6, s16, $0xb8;
	[tilespmem:$0x18100] =	vst v63  }
0x22: {  	s22 =	sadd.s32 $0xFFFFFFF0, s20;
	s21 =	sand.u32 $0x60, s21;
	_ =	swait.ge [sflag:s14], $0x4000  }
0x23: {  	s22 =	sand.u32 $0xFFFFF80, s22;
	s21 =	sadd.s32 s1, s21;
	[sflag:s14] =	ssyncset.done $0x0  }
0x24: {  	s21 =	sadd.s32 s22, s21;
	[sflag:s14] =	ssyncadd.s32 $0xFFFFC000  }
0x25: {  	[tilespmem:s6], [sflag:$0x1] =	stream.linear.gather [hbm4b:s21+s6], $0x80, $0x38;
	[tilespmem:$0x18100] =	vst v63  }
0x26: {  	_ =	swait.ge [sflag:s18], $0x80  }
0x27: {  	[sflag:s18] =	ssyncset.done $0x0  }
0x28: {  	s30 =	simm.s32 $0x30;
	[sflag:s18] =	ssyncadd.s32 $0xFFFFFF80  }
0x29: {  	[spmem:s5] =	stream.indirect.scatter.add.f32 [tilespmem:s15], [sflag:$0x3], $0x80, s16, s16, $0xb8;
	[tilespmem:$0x18100] =	vst v63  }
0x2a: {  	s21 =	sand.u32 $0x70, s30;
	_ =	swait.ge [sflag:s14], $0x4000  }
0x2b: {  	s31 =	sand.u32 $0xFFFFF80, s20;
	s21 =	sadd.s32 s1, s21;
	[sflag:s14] =	ssyncset.done $0x0  }
0x2c: {  	s20 =	simm.s32 $0x50;
	s21 =	sadd.s32 s31, s21;
	[sflag:s14] =	ssyncadd.s32 $0xFFFFC000  }
.LBB2_2:
0x2d: {  	[tilespmem:s16], [sflag:$0x2] =	stream.linear.gather [hbm4b:s21+s6], $0x80, $0x38;
	[tilespmem:$0x18100] =	vst v63  }
0x2e: {  	s21 =	smov.u32 s20  }
0x2f: {  	p0 =	sne.s32 s20, $0x4F0;
	s20 =	sadd.s32 $0x20, s20;
	_ =	swait.ge [sflag:s17], $0x80  }
0x30: {  	[sflag:s17] =	ssyncset.done $0x0  }
0x31: {  	s22 =	sadd.s32 s21, s12;
	s23 =	sadd.s32 $0xFFFFFFF0, s21;
	[sflag:s17] =	ssyncadd.s32 $0xFFFFFF80  }
0x32: {  	[spmem:s5] =	stream.indirect.scatter.add.f32 [tilespmem:s15], [sflag:$0x3], $0x80, s6, s16, $0xb8;
	[tilespmem:$0x18100] =	vst v63  }
0x33: {  	s24 =	sadd.s32 $0xFFFFFFF0, s22;
	s23 =	sand.u32 $0x60, s23;
	_ =	swait.ge [sflag:s14], $0x4000  }
0x34: {  	s24 =	sand.u32 $0xFFFFF80, s24;
	s23 =	sadd.s32 s1, s23;
	[sflag:s14] =	ssyncset.done $0x0  }
0x35: {  	s22 =	sand.u32 $0xFFFFF80, s22;
	s23 =	sadd.s32 s24, s23;
	[sflag:s14] =	ssyncadd.s32 $0xFFFFC000  }
0x36: {  	[tilespmem:s6], [sflag:$0x1] =	stream.linear.gather [hbm4b:s23+s6], $0x80, $0x38;
	[tilespmem:$0x18100] =	vst v63  }
0x37: {  	_ =	swait.ge [sflag:s18], $0x80  }
0x38: {  	[sflag:s18] =	ssyncset.done $0x0  }
.Ltmp0:
0x39: {  	[sflag:s18] =	ssyncadd.s32 $0xFFFFFF80;
	(pc) =	sbr.rel @p0 .LBB2_2-.Ltmp0, $4  }
0x3a: {  	[spmem:s5] =	stream.indirect.scatter.add.f32 [tilespmem:s15], [sflag:$0x3], $0x80, s16, s16, $0xb8;
	[tilespmem:$0x18100] =	vst v63  }
0x3b: {  	s21 =	sand.u32 $0x70, s21;
	_ =	swait.ge [sflag:s14], $0x4000  }
0x3c: {  	s21 =	sadd.s32 s1, s21;
	[sflag:s14] =	ssyncset.done $0x0  }
0x3d: {  	s21 =	sadd.s32 s22, s21;
	[sflag:s14] =	ssyncadd.s32 $0xFFFFC000  }
0x3e: {  	[tilespmem:s16], [sflag:$0x2] =	stream.linear.gather [hbm4b:s21+s6], $0x80, $0x38;
	[tilespmem:$0x18100] =	vst v63  }
0x3f: {  	_ =	swait.ge [sflag:s17], $0x80  }
0x40: {  	[sflag:s17] =	ssyncset.done $0x0  }
0x41: {  	[sflag:s17] =	ssyncadd.s32 $0xFFFFFF80  }
0x42: {  	[spmem:s5] =	stream.indirect.scatter.add.f32 [tilespmem:s15], [sflag:$0x3], $0x80, s6, s16, $0xb8;
	[tilespmem:$0x18100] =	vst v63  }
0x43: {  	_ =	swait.ge [sflag:s14], $0x4000  }
0x44: {  	[sflag:s14] =	ssyncset.done $0x0  }
0x45: {  	[sflag:s14] =	ssyncadd.s32 $0xFFFFC000  }
0x46: {  	_ =	swait.ge [sflag:s18], $0x80  }
0x47: {  	[sflag:s18] =	ssyncset.done $0x0  }
0x48: {  	[sflag:s18] =	ssyncadd.s32 $0xFFFFFF80  }
0x49: {  	[spmem:s5] =	stream.indirect.scatter.add.f32 [tilespmem:s15], [sflag:$0x3], $0x80, s16, s16, $0xb8;
	[tilespmem:$0x18100] =	vst v63  }
0x4a: {  	_ =	swait.ge [sflag:s14], $0x4000  }
0x4b: {  	s19 =	sadd.s32 $0x1, s19;
	[sflag:s14] =	ssyncset.done $0x0  }
0x4c: {  	p0 =	sne.s32 s19, s11;
	[sflag:s14] =	ssyncadd.s32 $0xFFFFC000  }
.Ltmp1:
0x4d: {  	[bflag:$0x0] =	sbarrier.arrive $0xFFFF;
	(pc) =	sbr.rel @p0 .LBB2_1-.Ltmp1, $4  }
0x4e: {  	[hbm:s10], [sflag:s8] =	dma.local [spmem:s13], $0x2800  }
0x4f: {  	_ =	swait.ge [sflag:s14], $0x2800  }
0x50: {  	[sflag:s14] =	ssyncset.done $0x0  }
0x51: {  	[sflag:s14] =	ssyncadd.s32 $0xFFFFD800  }
0x52: {  	_ =	sfence.sel $0x180000  }
0x53: {  	[bflag:$0x0] =	sbarrier.arrive $0xFFFF  }
0x54: {  	p0 =	sne.s32 s4, $0x0;
	_ =	strace $0x90000047  }
0x55: {  	s0 =	sadd.s32 @!p0 $0x100000, s0;
	[bflag:$0x2] =	sbarrier.arrive $0xFFFF  }
0x56: {  	[sflag:s0] =	ssyncadd.tile.s32 @!p0 $0x1;
	_ =	shalt  }
.Lfunc_end2:
_tile_overlayer_lowered:
.L_overlay_start_2:
0x57: {  	(tag) =	ssettag $0x2  }
0x58: {  	s0 =	rddreg [dreg:$0x0];
	s2 =	stileid.u32  }
0x59: {  	s1 =	rddreg [dreg:$0x1];
	p0 =	sne.s32 s2, $0x0  }
0x5a: {  	s3 =	rddreg [dreg:$0x2];
	[bflag:$0x3] =	sbarrier.arrive $0xFFFF;
	s2 =	simm.s32 @!p0 $0x1C03  }
0x5b: {  	[timem:s3], [sflag:s2] =	dma.local @!p0 [hbm:s0], s1  }
0x5c: {  	s0 =	simm.s32 @!p0 $0x3  }
0x5d: {  	_ =	swait.ge @!p0 [sflag:s0], s1  }
0x5e: {  	s1 =	ssub.s32 @!p0 $0x0, s1;
	[sflag:s0] =	ssyncset.done @!p0 $0x0  }
0x5f: {  	[sflag:s0] =	ssyncadd.s32 @!p0 s1  }
0x60: {  	[bflag:$0x3] =	sbarrier.arrive $0xFFFF  }
0x61: {  	_ =	shalt  }

</sc_bundles>
